<compile_context>
chip_gen: v7x
topology: tpu7x:2x2x1
jax: 0.10.2.dev20260603
libtpu: 0.0.44.dev20260713+nightly
codegen_flags: <defaults>
</compile_context>

<pallas_src>
import functools

import jax
import jax.numpy as jnp
from jax import lax
from jax.experimental import pallas as pl
from jax.experimental.pallas import tpu as pltpu
from jax.experimental.pallas import tpu_sc as plsc

LANES = 16
INT_MAX = 2147483647
UNROLL = 4


def _make_kernel(L, V, A):
    mesh = plsc.VectorSubcoreMesh(
        core_axis_name="c", subcore_axis_name="s",
        num_cores=1, num_subcores=1)
    tail = L - LANES
    assert 0 < tail <= LANES

    @functools.partial(
        pl.kernel,
        out_type=jax.ShapeDtypeStruct((1,), jnp.float32),
        mesh=mesh,
        compiler_params=pltpu.CompilerParams(
            needs_layout_passes=False, use_tc_tiling_on_sc=True),
        scratch_types=[
            pltpu.VMEM((A,), jnp.float32),
            pltpu.VMEM((3 * LANES,), jnp.int32),
            pltpu.VMEM((2 * LANES,), jnp.int32),
            pltpu.VMEM((L, 128), jnp.float32),
            pltpu.VMEM((LANES,), jnp.float32),
            pltpu.SemaphoreType.DMA,
            pltpu.SemaphoreType.DMA,
            pltpu.SemaphoreType.DMA,
        ],
    )
    def k(logits_hbm, alog_hbm, nflat_hbm, out_hbm,
          alog_v, ids_v, fidx_v, chunks_v, res_v, sem_i, sem_a, sem_c):
        lane = lax.iota(jnp.int32, LANES)

        def issue_chunk(i, _):
            c = ids_v[pl.ds(i, LANES)][0]
            c0 = pl.multiple_of((c // 128) * 128, 128)
            pltpu.async_copy(
                logits_hbm.at[i, pl.ds(c0, 128)], chunks_v.at[i], sem_c)
            return 0

        def drain_chunks():
            pltpu.make_async_copy(
                logits_hbm.at[pl.ds(0, L), pl.ds(0, 128)], chunks_v, sem_c
            ).wait()

        cp_ids = pltpu.async_copy(
            nflat_hbm.at[pl.ds(0, 2 * LANES)], ids_v.at[pl.ds(0, 2 * LANES)],
            sem_i)
        cp_al = pltpu.async_copy(alog_hbm, alog_v, sem_a)
        cp_ids.wait()
        lax.fori_loop(0, L, issue_chunk, 0)

        cp_al.wait()

        def step(t, ms):
            return tuple(
                jnp.maximum(ms[u], alog_v[pl.ds((t * UNROLL + u) * LANES,
                                                LANES)])
                for u in range(UNROLL))

        ms = tuple(jnp.full((LANES,), -jnp.inf) for _ in range(UNROLL))
        ms = lax.fori_loop(0, A // LANES // UNROLL, step, ms)
        mv = ms[0]
        for u in range(1, UNROLL):
            mv = jnp.maximum(mv, ms[u])
        m = jnp.max(mv)
        a0 = alog_v[pl.ds(0, LANES)][0]

        drain_chunks()

        @pl.when(a0 < m)
        def _():
            def istep(t, bi):
                v = alog_v[pl.ds(t * LANES, LANES)]
                return jnp.minimum(
                    bi, jnp.where(v == m, lane + t * LANES, INT_MAX))
            bi = lax.fori_loop(
                0, A // LANES, istep,
                jnp.full((LANES,), INT_MAX, jnp.int32))
            aid = jnp.min(bi)
            fidx_v[pl.ds(0, LANES)] = aid * L + lane
            fidx_v[pl.ds(LANES, LANES)] = jnp.where(
                lane < tail, aid * L + LANES + lane, 0)
            pltpu.async_copy(
                nflat_hbm.at[fidx_v], ids_v.at[pl.ds(0, 2 * LANES)], sem_i
            ).wait()
            lax.fori_loop(0, L, issue_chunk, 0)
            drain_chunks()

        v1 = ids_v[pl.ds(0, LANES)]
        v2 = ids_v[pl.ds(LANES, LANES)]
        vals1 = plsc.load_gather(chunks_v, [lane, v1 & 127])
        rows2 = jnp.where(lane < tail, LANES + lane, 0)
        cols2 = jnp.where(lane < tail, v2 & 127, 0)
        vals2 = plsc.load_gather(chunks_v, [rows2, cols2])
        total = jnp.sum(vals1 + jnp.where(lane < tail, vals2, 0.0))
        res_v[...] = jnp.full((LANES,), total, jnp.float32)
        pltpu.sync_copy(res_v.at[pl.ds(0, 1)], out_hbm)

    return k


@jax.jit
def kernel(logits, action_log, names):
    L, V = logits.shape
    A = action_log.shape[0]
    k = _make_kernel(L, V, A)
    res = k(logits, action_log, names.reshape(-1))
    return res.reshape(())

# --- scband reference (transcript-rebuilt; emitter-appended) ---
"""Pipeline reference for scband-lookup-prob-30399778521633 (READ-ONLY COPY).

The authoritative reference and input builder live on the scoring server;
editing this copy changes nothing except your own understanding.
"""

import jax, jax.numpy as jnp
import numpy as np

_FIXED_IDS = np.array([12, 4057, 99321, 555, 73210, 8, 4096, 20000, 31415, 27182, 16180, 100, 999, 54321, 67890, 11111, 22222, 33333, 44444, 55555, 66666, 77777, 88888, 313, 424, 535], dtype=np.int64)

A = 4096   # number of discrete actions (keys of action2name)
L = 26     # ids per action name (dash-separated)
V = 100000 # vocab / gather dimension of logits

def setup_inputs(seed: int = 0):
    key = jax.random.key(seed)
    k1, k2 = jax.random.split(key)
    logits = jax.random.uniform(k1, (L, V), dtype=jnp.float32)
    # action_log is zeros so argmax deterministically selects action 0,
    # matching the action2name dict entry for key "0" in the torch module.
    action_log = jnp.zeros((A,), dtype=jnp.float32)
    # Materialize the action2name mapping as an integer name table [A, L].
    names = jax.random.randint(k2, (A, L), 0, V, dtype=jnp.int32)
    names = names.at[0].set(jnp.asarray(_FIXED_IDS, dtype=jnp.int32))
    return {"logits": logits, "action_log": action_log, "names": names}

def reference(logits, action_log, names):
    # argmax over action_log selects which name (row of the table) to use
    action_id = jnp.argmax(action_log)
    ids = names[action_id]  # [L] int ids, equivalent of extract_name()
    # logits.gather(1, ids.view(-1,1)).view(-1)
    prob = jnp.take_along_axis(logits, ids[:, None].astype(jnp.int32), axis=1).reshape(-1)
    # torch module computes mul_p as a dead value and returns prob.sum()
    return prob.sum()

if __name__ == "__main__":
    import jax
    _d = setup_inputs()
    print(jax.jit(kernel)(*tuple(_d.values())))

</pallas_src>

<mosaic_0001>
#map = affine_map<(d0, d1) -> (0, 0)>
#map1 = affine_map<(d0, d1) -> (0)>
module attributes {stable_mosaic.version = 14 : i64} {
  func.func @k(%arg0: i32, %arg1: i32, %arg2: memref<26x100000xf32, #tpu.memory_space<hbm>>, %arg3: memref<4096xf32, #tpu.memory_space<hbm>>, %arg4: memref<106496xi32, #tpu.memory_space<hbm>>, %arg5: memref<1xf32, #tpu.memory_space<hbm>>, %arg6: memref<4096xf32, #tpu.memory_space<vmem>>, %arg7: memref<48xi32, #tpu.memory_space<vmem>>, %arg8: memref<32xi32, #tpu.memory_space<vmem>>, %arg9: memref<26x128xf32, #tpu.memory_space<vmem>>, %arg10: memref<16xf32, #tpu.memory_space<vmem>>, %arg11: memref<!tpu.dma_semaphore, #tpu.memory_space<semaphore_mem>>, %arg12: memref<!tpu.dma_semaphore, #tpu.memory_space<semaphore_mem>>, %arg13: memref<!tpu.dma_semaphore, #tpu.memory_space<semaphore_mem>>) attributes {dimension_semantics = [#tpu.dimension_semantics<core_parallel>, #tpu.dimension_semantics<subcore_parallel>], iteration_bounds = array<i64: 1, 1>, scalar_prefetch = 0 : i64, scratch_operands = 8 : i64, tpu.core_type = #tpu.core_type<sc_vector_subcore>, window_params = [{transform_indices = #map}, {transform_indices = #map1}, {transform_indices = #map1}, {transform_indices = #map1}]} {
    %iota3A = tpu.iota {dimensions = array<i32: 0>} : vector<16xi32>
    %dma_start3A = arith.constant 0 : i32
    %dma_start3A_0 = tpu.memref_slice %arg7[%dma_start3A] : memref<48xi32, #tpu.memory_space<vmem>> -> memref<32xi32, #tpu.memory_space<vmem>>
    %dma_start3A_1 = arith.constant 0 : i32
    %dma_start3A_2 = tpu.memref_slice %arg4[%dma_start3A_1] : memref<106496xi32, #tpu.memory_space<hbm>> -> memref<32xi32, #tpu.memory_space<hbm>>
    %dma_start3A_3 = arith.constant 0 : i32
    %dma_start3A_4 = tpu.memref_slice %arg7[%dma_start3A_3] : memref<48xi32, #tpu.memory_space<vmem>> -> memref<32xi32, #tpu.memory_space<vmem>>
    %dma_start3A_5 = arith.constant 0 : i32
    %dma_start3A_6 = tpu.memref_slice %arg4[%dma_start3A_5] : memref<106496xi32, #tpu.memory_space<hbm>> -> memref<32xi32, #tpu.memory_space<hbm>>
    tpu.enqueue_dma source(%dma_start3A_6 : memref<32xi32, #tpu.memory_space<hbm>>) target(%dma_start3A_4 : memref<32xi32, #tpu.memory_space<vmem>>) target_semaphore(%arg11 : memref<!tpu.dma_semaphore, #tpu.memory_space<semaphore_mem>>)
    tpu.enqueue_dma source(%arg3 : memref<4096xf32, #tpu.memory_space<hbm>>) target(%arg6 : memref<4096xf32, #tpu.memory_space<vmem>>) target_semaphore(%arg12 : memref<!tpu.dma_semaphore, #tpu.memory_space<semaphore_mem>>)
    %dma_wait3A = arith.constant 0 : i32
    %dma_wait3A_7 = tpu.memref_slice %arg7[%dma_wait3A] : memref<48xi32, #tpu.memory_space<vmem>> -> memref<32xi32, #tpu.memory_space<vmem>>
    %dma_wait3A_8 = arith.constant 0 : i32
    %dma_wait3A_9 = tpu.memref_slice %arg4[%dma_wait3A_8] : memref<106496xi32, #tpu.memory_space<hbm>> -> memref<32xi32, #tpu.memory_space<hbm>>
    %dma_wait3A_10 = arith.constant 0 : i32
    %dma_wait3A_11 = tpu.memref_slice %arg7[%dma_wait3A_10] : memref<48xi32, #tpu.memory_space<vmem>> -> memref<32xi32, #tpu.memory_space<vmem>>
    %dma_wait3A_12 = arith.constant 0 : i32
    %dma_wait3A_13 = tpu.memref_slice %arg4[%dma_wait3A_12] : memref<106496xi32, #tpu.memory_space<hbm>> -> memref<32xi32, #tpu.memory_space<hbm>>
    tpu.wait_dma2 semaphore(%arg11 : memref<!tpu.dma_semaphore, #tpu.memory_space<semaphore_mem>>) src(%dma_wait3A_13 : memref<32xi32, #tpu.memory_space<hbm>>) dst(%dma_wait3A_11 : memref<32xi32, #tpu.memory_space<vmem>>)
    %scan3A = arith.constant 0 : i32
    %scan3A_14 = arith.constant 0 : i32
    %scan3A_15 = arith.constant 26 : i32
    %scan3A_16 = arith.addi %scan3A_14, %scan3A_15 : i32
    %scan3A_17 = arith.constant 1 : i32
    %scan3A_18 = scf.for %scan3A_80 = %scan3A_14 to %scan3A_16 step %scan3A_17 iter_args(%scan3A_81 = %scan3A) -> (i32)  : i32 {
      %get3A_82 = arith.index_cast %scan3A_80 : i32 to index
      %get3A_83 = tpu.vector_load %arg7[%get3A_82] {strides = array<i32>} : memref<48xi32, #tpu.memory_space<vmem>>, vector<16xi32>,
      %slice3A_84 = vector.extract_strided_slice %get3A_83 {offsets = [0], sizes = [1], strides = [1]} : vector<16xi32> to vector<1xi32>
      %squeeze3A_85 = vector.extract %slice3A_84[0] : i32 from vector<1xi32>
      %jit3A_86 = arith.constant 128 : i32
      %div3A = arith.divsi %squeeze3A_85, %jit3A_86 : i32
      %sign3A = arith.constant 0 : i32
      %sign3A_87 = arith.cmpi sgt, %squeeze3A_85, %sign3A : i32
      %sign3A_88 = arith.extui %sign3A_87 : i1 to i32
      %sign3A_89 = arith.constant 0 : i32
      %sign3A_90 = arith.cmpi slt, %squeeze3A_85, %sign3A_89 : i32
      %sign3A_91 = arith.extui %sign3A_90 : i1 to i32
      %sign3A_92 = arith.subi %sign3A_88, %sign3A_91 : i32
      %sign3A_93 = arith.constant 0 : i32
      %sign3A_94 = arith.cmpi sgt, %jit3A_86, %sign3A_93 : i32
      %sign3A_95 = arith.extui %sign3A_94 : i1 to i32
      %sign3A_96 = arith.constant 0 : i32
      %sign3A_97 = arith.cmpi slt, %jit3A_86, %sign3A_96 : i32
      %sign3A_98 = arith.extui %sign3A_97 : i1 to i32
      %sign3A_99 = arith.subi %sign3A_95, %sign3A_98 : i32
      %ne3A = arith.cmpi ne, %sign3A_92, %sign3A_99 : i32
      %rem3A = arith.remsi %squeeze3A_85, %jit3A_86 : i32
      %ne3A_100 = arith.constant 0 : i32
      %ne3A_101 = arith.cmpi ne, %rem3A, %ne3A_100 : i32
      %and3A_102 = arith.andi %ne3A, %ne3A_101 : i1
      %sub3A = arith.constant 1 : i32
      %sub3A_103 = arith.subi %div3A, %sub3A : i32
      %select_n3A_104 = arith.select %and3A_102, %sub3A_103, %div3A : i32
      %mul3A = arith.constant 128 : i32
      %mul3A_105 = arith.muli %select_n3A_104, %mul3A : i32
      %multiple_of3A = tpu.assume_multiple %mul3A_105, 128 : i32
      %dma_start3A_106 = arith.constant 0 : i32
      %dma_start3A_107 = tpu.memref_slice %arg9[%scan3A_80, %dma_start3A_106] : memref<26x128xf32, #tpu.memory_space<vmem>> -> memref<1x128xf32, #tpu.memory_space<vmem>>
      %dma_start3A_108 = tpu.memref_squeeze %dma_start3A_107 : memref<1x128xf32, #tpu.memory_space<vmem>> -> memref<128xf32, #tpu.memory_space<vmem>>
      %dma_start3A_109 = tpu.memref_slice %arg2[%scan3A_80, %multiple_of3A] : memref<26x100000xf32, #tpu.memory_space<hbm>> -> memref<1x128xf32, #tpu.memory_space<hbm>>
      %dma_start3A_110 = tpu.memref_squeeze %dma_start3A_109 : memref<1x128xf32, #tpu.memory_space<hbm>> -> memref<128xf32, #tpu.memory_space<hbm>>
      %dma_start3A_111 = arith.constant 0 : i32
      %dma_start3A_112 = tpu.memref_slice %arg9[%scan3A_80, %dma_start3A_111] : memref<26x128xf32, #tpu.memory_space<vmem>> -> memref<1x128xf32, #tpu.memory_space<vmem>>
      %dma_start3A_113 = tpu.memref_squeeze %dma_start3A_112 : memref<1x128xf32, #tpu.memory_space<vmem>> -> memref<128xf32, #tpu.memory_space<vmem>>
      %dma_start3A_114 = tpu.memref_slice %arg2[%scan3A_80, %multiple_of3A] : memref<26x100000xf32, #tpu.memory_space<hbm>> -> memref<1x128xf32, #tpu.memory_space<hbm>>
      %dma_start3A_115 = tpu.memref_squeeze %dma_start3A_114 : memref<1x128xf32, #tpu.memory_space<hbm>> -> memref<128xf32, #tpu.memory_space<hbm>>
      tpu.enqueue_dma source(%dma_start3A_115 : memref<128xf32, #tpu.memory_space<hbm>>) target(%dma_start3A_113 : memref<128xf32, #tpu.memory_space<vmem>>) target_semaphore(%arg13 : memref<!tpu.dma_semaphore, #tpu.memory_space<semaphore_mem>>)
      %scan3A_116 = arith.constant 0 : i32
      scf.yield %scan3A_116 : i32
    }
    %scan3A_19 = arith.constant 26 : i32
    tpu.wait_dma2 semaphore(%arg12 : memref<!tpu.dma_semaphore, #tpu.memory_space<semaphore_mem>>) src(%arg3 : memref<4096xf32, #tpu.memory_space<hbm>>) dst(%arg6 : memref<4096xf32, #tpu.memory_space<vmem>>)
    %broadcast_in_dim3A = arith.constant 0xFF800000 : f32
    %broadcast_in_dim3A_20 = vector.broadcast %broadcast_in_dim3A : f32 to vector<16xf32>
    %broadcast_in_dim3A_21 = arith.constant 0xFF800000 : f32
    %broadcast_in_dim3A_22 = vector.broadcast %broadcast_in_dim3A_21 : f32 to vector<16xf32>
    %broadcast_in_dim3A_23 = arith.constant 0xFF800000 : f32
    %broadcast_in_dim3A_24 = vector.broadcast %broadcast_in_dim3A_23 : f32 to vector<16xf32>
    %broadcast_in_dim3A_25 = arith.constant 0xFF800000 : f32
    %broadcast_in_dim3A_26 = vector.broadcast %broadcast_in_dim3A_25 : f32 to vector<16xf32>
    %scan3A_27 = arith.constant 0 : i32
    %scan3A_28 = arith.constant 64 : i32
    %scan3A_29 = arith.addi %scan3A_27, %scan3A_28 : i32
    %scan3A_30 = arith.constant 1 : i32
    %scan3A_31:4 = scf.for %scan3A_80 = %scan3A_27 to %scan3A_29 step %scan3A_30 iter_args(%scan3A_81 = %broadcast_in_dim3A_20, %scan3A_82 = %broadcast_in_dim3A_22, %scan3A_83 = %broadcast_in_dim3A_24, %scan3A_84 = %broadcast_in_dim3A_26) -> (vector<16xf32>, vector<16xf32>, vector<16xf32>, vector<16xf32>)  : i32 {
      %mul3A = arith.constant 4 : i32
      %mul3A_85 = arith.muli %scan3A_80, %mul3A : i32
      %add3A_86 = arith.constant 0 : i32
      %add3A_87 = arith.addi %mul3A_85, %add3A_86 : i32
      %mul3A_88 = arith.constant 16 : i32
      %mul3A_89 = arith.muli %add3A_87, %mul3A_88 : i32
      %get3A_90 = arith.index_cast %mul3A_89 : i32 to index
      %get3A_91 = tpu.vector_load %arg6[%get3A_90] {strides = array<i32>} : memref<4096xf32, #tpu.memory_space<vmem>>, vector<16xf32>,
      %max3A_92 = arith.maximumf %scan3A_81, %get3A_91 : vector<16xf32>
      %mul3A_93 = arith.constant 4 : i32
      %mul3A_94 = arith.muli %scan3A_80, %mul3A_93 : i32
      %add3A_95 = arith.constant 1 : i32
      %add3A_96 = arith.addi %mul3A_94, %add3A_95 : i32
      %mul3A_97 = arith.constant 16 : i32
      %mul3A_98 = arith.muli %add3A_96, %mul3A_97 : i32
      %get3A_99 = arith.index_cast %mul3A_98 : i32 to index
      %get3A_100 = tpu.vector_load %arg6[%get3A_99] {strides = array<i32>} : memref<4096xf32, #tpu.memory_space<vmem>>, vector<16xf32>,
      %max3A_101 = arith.maximumf %scan3A_82, %get3A_100 : vector<16xf32>
      %mul3A_102 = arith.constant 4 : i32
      %mul3A_103 = arith.muli %scan3A_80, %mul3A_102 : i32
      %add3A_104 = arith.constant 2 : i32
      %add3A_105 = arith.addi %mul3A_103, %add3A_104 : i32
      %mul3A_106 = arith.constant 16 : i32
      %mul3A_107 = arith.muli %add3A_105, %mul3A_106 : i32
      %get3A_108 = arith.index_cast %mul3A_107 : i32 to index
      %get3A_109 = tpu.vector_load %arg6[%get3A_108] {strides = array<i32>} : memref<4096xf32, #tpu.memory_space<vmem>>, vector<16xf32>,
      %max3A_110 = arith.maximumf %scan3A_83, %get3A_109 : vector<16xf32>
      %mul3A_111 = arith.constant 4 : i32
      %mul3A_112 = arith.muli %scan3A_80, %mul3A_111 : i32
      %add3A_113 = arith.constant 3 : i32
      %add3A_114 = arith.addi %mul3A_112, %add3A_113 : i32
      %mul3A_115 = arith.constant 16 : i32
      %mul3A_116 = arith.muli %add3A_114, %mul3A_115 : i32
      %get3A_117 = arith.index_cast %mul3A_116 : i32 to index
      %get3A_118 = tpu.vector_load %arg6[%get3A_117] {strides = array<i32>} : memref<4096xf32, #tpu.memory_space<vmem>>, vector<16xf32>,
      %max3A_119 = arith.maximumf %scan3A_84, %get3A_118 : vector<16xf32>
      scf.yield %max3A_92, %max3A_101, %max3A_110, %max3A_119 : vector<16xf32>, vector<16xf32>, vector<16xf32>, vector<16xf32>
    }
    %scan3A_32 = arith.constant 64 : i32
    %max3A = arith.maximumf %scan3A_31#0, %scan3A_31#1 : vector<16xf32>
    %max3A_33 = arith.maximumf %max3A, %scan3A_31#2 : vector<16xf32>
    %max3A_34 = arith.maximumf %max3A_33, %scan3A_31#3 : vector<16xf32>
    %reduce_max3A = arith.constant true
    %reduce_max3A_35 = vector.broadcast %reduce_max3A : i1 to vector<16xi1>
    %reduce_max3A_36 = tpu.scan <max>, %max3A_34 masked %reduce_max3A_35 : vector<16xf32>, vector<16xi1> -> vector<16xf32>
    %reduce_max3A_37 = vector.extract %reduce_max3A_36[15] : f32 from vector<16xf32>
    %get3A = arith.constant 0 : index
    %get3A_38 = tpu.vector_load %arg6[%get3A] {strides = array<i32>} : memref<4096xf32, #tpu.memory_space<vmem>>, vector<16xf32>,
    %slice3A = vector.extract_strided_slice %get3A_38 {offsets = [0], sizes = [1], strides = [1]} : vector<16xf32> to vector<1xf32>
    %squeeze3A = vector.extract %slice3A[0] : f32 from vector<1xf32>
    %dma_wait3A_39 = arith.constant 0 : i32
    %dma_wait3A_40 = arith.constant 0 : i32
    %dma_wait3A_41 = tpu.memref_slice %arg2[%dma_wait3A_39, %dma_wait3A_40] : memref<26x100000xf32, #tpu.memory_space<hbm>> -> memref<26x128xf32, #tpu.memory_space<hbm>>
    %dma_wait3A_42 = arith.constant 0 : i32
    %dma_wait3A_43 = arith.constant 0 : i32
    %dma_wait3A_44 = tpu.memref_slice %arg2[%dma_wait3A_42, %dma_wait3A_43] : memref<26x100000xf32, #tpu.memory_space<hbm>> -> memref<26x128xf32, #tpu.memory_space<hbm>>
    tpu.wait_dma2 semaphore(%arg13 : memref<!tpu.dma_semaphore, #tpu.memory_space<semaphore_mem>>) src(%dma_wait3A_44 : memref<26x128xf32, #tpu.memory_space<hbm>>) dst(%arg9 : memref<26x128xf32, #tpu.memory_space<vmem>>)
    %lt3A = arith.cmpf olt, %squeeze3A, %reduce_max3A_37 : f32
    %convert_element_type3A = arith.extui %lt3A : i1 to i32
    %cond3A = arith.constant 0 : i32
    %cond3A_45 = arith.cmpi ne, %convert_element_type3A, %cond3A : i32
    scf.if %cond3A_45 {
      %broadcast_in_dim3A_80 = arith.constant 2147483647 : i32
      %broadcast_in_dim3A_81 = vector.broadcast %broadcast_in_dim3A_80 : i32 to vector<16xi32>
      %scan3A_82 = arith.constant 0 : i32
      %scan3A_83 = arith.constant 256 : i32
      %scan3A_84 = arith.addi %scan3A_82, %scan3A_83 : i32
      %scan3A_85 = arith.constant 1 : i32
      %scan3A_86 = scf.for %scan3A_135 = %scan3A_82 to %scan3A_84 step %scan3A_85 iter_args(%scan3A_136 = %broadcast_in_dim3A_81) -> (vector<16xi32>)  : i32 {
        %mul3A_137 = arith.constant 16 : i32
        %mul3A_138 = arith.muli %scan3A_135, %mul3A_137 : i32
        %get3A_139 = arith.index_cast %mul3A_138 : i32 to index
        %get3A_140 = tpu.vector_load %arg6[%get3A_139] {strides = array<i32>} : memref<4096xf32, #tpu.memory_space<vmem>>, vector<16xf32>,
        %eq3A = vector.broadcast %reduce_max3A_37 : f32 to vector<16xf32>
        %eq3A_141 = arith.cmpf oeq, %get3A_140, %eq3A : vector<16xf32>
        %mul3A_142 = arith.constant 16 : i32
        %mul3A_143 = arith.muli %scan3A_135, %mul3A_142 : i32
        %add3A_144 = vector.broadcast %mul3A_143 : i32 to vector<16xi32>
        %add3A_145 = arith.addi %iota3A, %add3A_144 : vector<16xi32>
        %jit3A_146 = arith.constant 2147483647 : i32
        %broadcast_in_dim3A_147 = vector.broadcast %jit3A_146 : i32 to vector<16xi32>
        %select_n3A_148 = arith.select %eq3A_141, %add3A_145, %broadcast_in_dim3A_147 : vector<16xi1>, vector<16xi32>
        %min3A = arith.minsi %scan3A_136, %select_n3A_148 : vector<16xi32>
        scf.yield %min3A : vector<16xi32>
      }
      %scan3A_87 = arith.constant 256 : i32
      %reduce_min3A = arith.constant true
      %reduce_min3A_88 = vector.broadcast %reduce_min3A : i1 to vector<16xi1>
      %reduce_min3A_89 = arith.constant -2147483648 : i32
      %reduce_min3A_90 = vector.broadcast %reduce_min3A_89 : i32 to vector<16xi32>
      %reduce_min3A_91 = arith.xori %scan3A_86, %reduce_min3A_90 : vector<16xi32>
      %reduce_min3A_92 = tpu.scan <min>, %reduce_min3A_91 masked %reduce_min3A_88 : vector<16xi32>, vector<16xi1> -> vector<16xi32>
      %reduce_min3A_93 = arith.xori %reduce_min3A_92, %reduce_min3A_90 : vector<16xi32>
      %reduce_min3A_94 = vector.extract %reduce_min3A_93[15] : i32 from vector<16xi32>
      %mul3A = arith.constant 26 : i32
      %mul3A_95 = arith.muli %reduce_min3A_94, %mul3A : i32
      %add3A_96 = vector.broadcast %mul3A_95 : i32 to vector<16xi32>
      %add3A_97 = arith.addi %add3A_96, %iota3A : vector<16xi32>
      %swap3A_98 = arith.constant 0 : index
      %swap3A_99 = tpu.vector_load %arg8[%swap3A_98] {strides = array<i32>} : memref<32xi32, #tpu.memory_space<vmem>>, vector<16xi32>,
      tpu.vector_store %arg8[%swap3A_98], %add3A_97 {strides = array<i32>} : memref<32xi32, #tpu.memory_space<vmem>>, vector<16xi32>,
      %lt3A_100 = arith.constant 10 : i32
      %lt3A_101 = vector.broadcast %lt3A_100 : i32 to vector<16xi32>
      %lt3A_102 = arith.cmpi slt, %iota3A, %lt3A_101 : vector<16xi32>
      %mul3A_103 = arith.constant 26 : i32
      %mul3A_104 = arith.muli %reduce_min3A_94, %mul3A_103 : i32
      %add3A_105 = arith.constant 16 : i32
      %add3A_106 = arith.addi %mul3A_104, %add3A_105 : i32
      %add3A_107 = vector.broadcast %add3A_106 : i32 to vector<16xi32>
      %add3A_108 = arith.addi %add3A_107, %iota3A : vector<16xi32>
      %jit3A_109 = arith.constant 0 : i32
      %broadcast_in_dim3A_110 = vector.broadcast %jit3A_109 : i32 to vector<16xi32>
      %select_n3A_111 = arith.select %lt3A_102, %add3A_108, %broadcast_in_dim3A_110 : vector<16xi1>, vector<16xi32>
      %swap3A_112 = arith.constant 16 : index
      %swap3A_113 = tpu.vector_load %arg8[%swap3A_112] {strides = array<i32>} : memref<32xi32, #tpu.memory_space<vmem>>, vector<16xi32>,
      tpu.vector_store %arg8[%swap3A_112], %select_n3A_111 {strides = array<i32>} : memref<32xi32, #tpu.memory_space<vmem>>, vector<16xi32>,
      %dma_start3A_114 = arith.constant 0 : i32
      %dma_start3A_115 = tpu.memref_slice %arg7[%dma_start3A_114] : memref<48xi32, #tpu.memory_space<vmem>> -> memref<32xi32, #tpu.memory_space<vmem>>
      %dma_start3A_116 = arith.constant 0 : i32
      %dma_start3A_117 = tpu.memref_slice %arg4[%dma_start3A_116] : memref<106496xi32, #tpu.memory_space<hbm>> -> memref<106496xi32, #tpu.memory_space<hbm>>
      tpu.enqueue_indirect_dma source(%dma_start3A_117 : memref<106496xi32, #tpu.memory_space<hbm>>) target(%dma_start3A_115 : memref<32xi32, #tpu.memory_space<vmem>>) offsets(%arg8 : memref<32xi32, #tpu.memory_space<vmem>>) semaphore(%arg11 : memref<!tpu.dma_semaphore, #tpu.memory_space<semaphore_mem>>)
      %dma_wait3A_118 = arith.constant 0 : i32
      %dma_wait3A_119 = tpu.memref_slice %arg7[%dma_wait3A_118] : memref<48xi32, #tpu.memory_space<vmem>> -> memref<32xi32, #tpu.memory_space<vmem>>
      %dma_wait3A_120 = arith.constant 0 : i32
      %dma_wait3A_121 = tpu.memref_slice %arg4[%dma_wait3A_120] : memref<106496xi32, #tpu.memory_space<hbm>> -> memref<106496xi32, #tpu.memory_space<hbm>>
      tpu.wait_indirect_dma semaphore(%arg11 : memref<!tpu.dma_semaphore, #tpu.memory_space<semaphore_mem>>) src(%dma_wait3A_121 : memref<106496xi32, #tpu.memory_space<hbm>>) dst(%dma_wait3A_119 : memref<32xi32, #tpu.memory_space<vmem>>)
      %scan3A_122 = arith.constant 0 : i32
      %scan3A_123 = arith.constant 0 : i32
      %scan3A_124 = arith.constant 26 : i32
      %scan3A_125 = arith.addi %scan3A_123, %scan3A_124 : i32
      %scan3A_126 = arith.constant 1 : i32
      %scan3A_127 = scf.for %scan3A_135 = %scan3A_123 to %scan3A_125 step %scan3A_126 iter_args(%scan3A_136 = %scan3A_122) -> (i32)  : i32 {
        %get3A_137 = arith.index_cast %scan3A_135 : i32 to index
        %get3A_138 = tpu.vector_load %arg7[%get3A_137] {strides = array<i32>} : memref<48xi32, #tpu.memory_space<vmem>>, vector<16xi32>,
        %slice3A_139 = vector.extract_strided_slice %get3A_138 {offsets = [0], sizes = [1], strides = [1]} : vector<16xi32> to vector<1xi32>
        %squeeze3A_140 = vector.extract %slice3A_139[0] : i32 from vector<1xi32>
        %jit3A_141 = arith.constant 128 : i32
        %div3A = arith.divsi %squeeze3A_140, %jit3A_141 : i32
        %sign3A = arith.constant 0 : i32
        %sign3A_142 = arith.cmpi sgt, %squeeze3A_140, %sign3A : i32
        %sign3A_143 = arith.extui %sign3A_142 : i1 to i32
        %sign3A_144 = arith.constant 0 : i32
        %sign3A_145 = arith.cmpi slt, %squeeze3A_140, %sign3A_144 : i32
        %sign3A_146 = arith.extui %sign3A_145 : i1 to i32
        %sign3A_147 = arith.subi %sign3A_143, %sign3A_146 : i32
        %sign3A_148 = arith.constant 0 : i32
        %sign3A_149 = arith.cmpi sgt, %jit3A_141, %sign3A_148 : i32
        %sign3A_150 = arith.extui %sign3A_149 : i1 to i32
        %sign3A_151 = arith.constant 0 : i32
        %sign3A_152 = arith.cmpi slt, %jit3A_141, %sign3A_151 : i32
        %sign3A_153 = arith.extui %sign3A_152 : i1 to i32
        %sign3A_154 = arith.subi %sign3A_150, %sign3A_153 : i32
        %ne3A = arith.cmpi ne, %sign3A_147, %sign3A_154 : i32
        %rem3A = arith.remsi %squeeze3A_140, %jit3A_141 : i32
        %ne3A_155 = arith.constant 0 : i32
        %ne3A_156 = arith.cmpi ne, %rem3A, %ne3A_155 : i32
        %and3A_157 = arith.andi %ne3A, %ne3A_156 : i1
        %sub3A = arith.constant 1 : i32
        %sub3A_158 = arith.subi %div3A, %sub3A : i32
        %select_n3A_159 = arith.select %and3A_157, %sub3A_158, %div3A : i32
        %mul3A_160 = arith.constant 128 : i32
        %mul3A_161 = arith.muli %select_n3A_159, %mul3A_160 : i32
        %multiple_of3A = tpu.assume_multiple %mul3A_161, 128 : i32
        %dma_start3A_162 = arith.constant 0 : i32
        %dma_start3A_163 = tpu.memref_slice %arg9[%scan3A_135, %dma_start3A_162] : memref<26x128xf32, #tpu.memory_space<vmem>> -> memref<1x128xf32, #tpu.memory_space<vmem>>
        %dma_start3A_164 = tpu.memref_squeeze %dma_start3A_163 : memref<1x128xf32, #tpu.memory_space<vmem>> -> memref<128xf32, #tpu.memory_space<vmem>>
        %dma_start3A_165 = tpu.memref_slice %arg2[%scan3A_135, %multiple_of3A] : memref<26x100000xf32, #tpu.memory_space<hbm>> -> memref<1x128xf32, #tpu.memory_space<hbm>>
        %dma_start3A_166 = tpu.memref_squeeze %dma_start3A_165 : memref<1x128xf32, #tpu.memory_space<hbm>> -> memref<128xf32, #tpu.memory_space<hbm>>
        %dma_start3A_167 = arith.constant 0 : i32
        %dma_start3A_168 = tpu.memref_slice %arg9[%scan3A_135, %dma_start3A_167] : memref<26x128xf32, #tpu.memory_space<vmem>> -> memref<1x128xf32, #tpu.memory_space<vmem>>
        %dma_start3A_169 = tpu.memref_squeeze %dma_start3A_168 : memref<1x128xf32, #tpu.memory_space<vmem>> -> memref<128xf32, #tpu.memory_space<vmem>>
        %dma_start3A_170 = tpu.memref_slice %arg2[%scan3A_135, %multiple_of3A] : memref<26x100000xf32, #tpu.memory_space<hbm>> -> memref<1x128xf32, #tpu.memory_space<hbm>>
        %dma_start3A_171 = tpu.memref_squeeze %dma_start3A_170 : memref<1x128xf32, #tpu.memory_space<hbm>> -> memref<128xf32, #tpu.memory_space<hbm>>
        tpu.enqueue_dma source(%dma_start3A_171 : memref<128xf32, #tpu.memory_space<hbm>>) target(%dma_start3A_169 : memref<128xf32, #tpu.memory_space<vmem>>) target_semaphore(%arg13 : memref<!tpu.dma_semaphore, #tpu.memory_space<semaphore_mem>>)
        %scan3A_172 = arith.constant 0 : i32
        scf.yield %scan3A_172 : i32
      }
      %scan3A_128 = arith.constant 26 : i32
      %dma_wait3A_129 = arith.constant 0 : i32
      %dma_wait3A_130 = arith.constant 0 : i32
      %dma_wait3A_131 = tpu.memref_slice %arg2[%dma_wait3A_129, %dma_wait3A_130] : memref<26x100000xf32, #tpu.memory_space<hbm>> -> memref<26x128xf32, #tpu.memory_space<hbm>>
      %dma_wait3A_132 = arith.constant 0 : i32
      %dma_wait3A_133 = arith.constant 0 : i32
      %dma_wait3A_134 = tpu.memref_slice %arg2[%dma_wait3A_132, %dma_wait3A_133] : memref<26x100000xf32, #tpu.memory_space<hbm>> -> memref<26x128xf32, #tpu.memory_space<hbm>>
      tpu.wait_dma2 semaphore(%arg13 : memref<!tpu.dma_semaphore, #tpu.memory_space<semaphore_mem>>) src(%dma_wait3A_134 : memref<26x128xf32, #tpu.memory_space<hbm>>) dst(%arg9 : memref<26x128xf32, #tpu.memory_space<vmem>>)
    } else {
    }
    %get3A_46 = arith.constant 0 : index
    %get3A_47 = tpu.vector_load %arg7[%get3A_46] {strides = array<i32>} : memref<48xi32, #tpu.memory_space<vmem>>, vector<16xi32>,
    %get3A_48 = arith.constant 16 : index
    %get3A_49 = tpu.vector_load %arg7[%get3A_48] {strides = array<i32>} : memref<48xi32, #tpu.memory_space<vmem>>, vector<16xi32>,
    %and3A = arith.constant 127 : i32
    %and3A_50 = vector.broadcast %and3A : i32 to vector<16xi32>
    %and3A_51 = arith.andi %get3A_47, %and3A_50 : vector<16xi32>
    %gather3A = tpu.vector_load_idx %arg9[%iota3A, %and3A_51] : memref<26x128xf32, #tpu.memory_space<vmem>>[vector<16xi32>, vector<16xi32>], vector<16xf32>,
    %lt3A_52 = arith.constant 10 : i32
    %lt3A_53 = vector.broadcast %lt3A_52 : i32 to vector<16xi32>
    %lt3A_54 = arith.cmpi slt, %iota3A, %lt3A_53 : vector<16xi32>
    %add3A = arith.constant 16 : i32
    %add3A_55 = vector.broadcast %add3A : i32 to vector<16xi32>
    %add3A_56 = arith.addi %add3A_55, %iota3A : vector<16xi32>
    %jit3A = arith.constant 0 : i32
    %broadcast_in_dim3A_57 = vector.broadcast %jit3A : i32 to vector<16xi32>
    %select_n3A = arith.select %lt3A_54, %add3A_56, %broadcast_in_dim3A_57 : vector<16xi1>, vector<16xi32>
    %lt3A_58 = arith.constant 10 : i32
    %lt3A_59 = vector.broadcast %lt3A_58 : i32 to vector<16xi32>
    %lt3A_60 = arith.cmpi slt, %iota3A, %lt3A_59 : vector<16xi32>
    %and3A_61 = arith.constant 127 : i32
    %and3A_62 = vector.broadcast %and3A_61 : i32 to vector<16xi32>
    %and3A_63 = arith.andi %get3A_49, %and3A_62 : vector<16xi32>
    %jit3A_64 = arith.constant 0 : i32
    %broadcast_in_dim3A_65 = vector.broadcast %jit3A_64 : i32 to vector<16xi32>
    %select_n3A_66 = arith.select %lt3A_60, %and3A_63, %broadcast_in_dim3A_65 : vector<16xi1>, vector<16xi32>
    %gather3A_67 = tpu.vector_load_idx %arg9[%select_n3A, %select_n3A_66] : memref<26x128xf32, #tpu.memory_space<vmem>>[vector<16xi32>, vector<16xi32>], vector<16xf32>,
    %lt3A_68 = arith.constant 10 : i32
    %lt3A_69 = vector.broadcast %lt3A_68 : i32 to vector<16xi32>
    %lt3A_70 = arith.cmpi slt, %iota3A, %lt3A_69 : vector<16xi32>
    %jit3A_71 = arith.constant 0.000000e+00 : f32
    %broadcast_in_dim3A_72 = vector.broadcast %jit3A_71 : f32 to vector<16xf32>
    %select_n3A_73 = arith.select %lt3A_70, %gather3A_67, %broadcast_in_dim3A_72 : vector<16xi1>, vector<16xf32>
    %add3A_74 = arith.addf %gather3A, %select_n3A_73 : vector<16xf32>
    %reduce_sum3A = arith.constant true
    %reduce_sum3A_75 = vector.broadcast %reduce_sum3A : i1 to vector<16xi1>
    %reduce_sum3A_76 = tpu.scan <sum>, %add3A_74 masked %reduce_sum3A_75 : vector<16xf32>, vector<16xi1> -> vector<16xf32>
    %reduce_sum3A_77 = vector.extract %reduce_sum3A_76[15] : f32 from vector<16xf32>
    %broadcast_in_dim3A_78 = vector.broadcast %reduce_sum3A_77 : f32 to vector<16xf32>
    %swap3A = arith.constant 0 : index
    %swap3A_79 = tpu.vector_load %arg10[%swap3A] {strides = array<i32>} : memref<16xf32, #tpu.memory_space<vmem>>, vector<16xf32>,
    tpu.vector_store %arg10[%swap3A], %broadcast_in_dim3A_78 {strides = array<i32>} : memref<16xf32, #tpu.memory_space<vmem>>, vector<16xf32>,
    "tpu.region"() ({
      %run_scoped3A = tpu.sem_alloc : memref<!tpu.dma_semaphore, #tpu.memory_space<semaphore_mem>>
      %dma_start3A_80 = arith.constant 0 : i32
      %dma_start3A_81 = tpu.memref_slice %arg10[%dma_start3A_80] : memref<16xf32, #tpu.memory_space<vmem>> -> memref<1xf32, #tpu.memory_space<vmem>>
      %dma_start3A_82 = arith.constant 0 : i32
      %dma_start3A_83 = tpu.memref_slice %arg10[%dma_start3A_82] : memref<16xf32, #tpu.memory_space<vmem>> -> memref<1xf32, #tpu.memory_space<vmem>>
      tpu.enqueue_dma source(%dma_start3A_83 : memref<1xf32, #tpu.memory_space<vmem>>) target(%arg5 : memref<1xf32, #tpu.memory_space<hbm>>) target_semaphore(%run_scoped3A : memref<!tpu.dma_semaphore, #tpu.memory_space<semaphore_mem>>)
      %dma_wait3A_84 = arith.constant 0 : i32
      %dma_wait3A_85 = tpu.memref_slice %arg10[%dma_wait3A_84] : memref<16xf32, #tpu.memory_space<vmem>> -> memref<1xf32, #tpu.memory_space<vmem>>
      %dma_wait3A_86 = arith.constant 0 : i32
      %dma_wait3A_87 = tpu.memref_slice %arg10[%dma_wait3A_86] : memref<16xf32, #tpu.memory_space<vmem>> -> memref<1xf32, #tpu.memory_space<vmem>>
      tpu.wait_dma2 semaphore(%run_scoped3A : memref<!tpu.dma_semaphore, #tpu.memory_space<semaphore_mem>>) src(%dma_wait3A_87 : memref<1xf32, #tpu.memory_space<vmem>>) dst(%arg5 : memref<1xf32, #tpu.memory_space<hbm>>)
      tpu.yield
    }) : () -> ()
    return
  }
}

</mosaic_0001>

<sc_bundles>
// kernel: kernel.3.cloned.1.call-start
scs
__scs_entry_jumppad:
0x0: {  	(pc) =	sbr.rel $0x88, $3  }
0x1: {  	(tag) =	ssettag $0x0;
	lr =	simm.s32 $0x1  }
0x2: {  	[smem:$0x3F9E] =	sst lr;
	_ =	strace $0xD0000000  }
0x3: {  	_ = 	snop  }
0x4: {  	_ = 	snop  }
0x5: {  	_ = 	snop  }
0x6: {  	_ = 	snop  }
0x7: {  	_ = 	snop  }
__scs_overlays_trampoline_lowered:
0x8: {  	[smem:$0x3FAD] =	sst s0  }
0x9: {  	[smem:$0x3FAE] =	sst s1  }
0xa: {  	[smem:$0x3FAF] =	sst s2  }
0xb: {  	[smem:$0x3FB0] =	sst s3  }
0xc: {  	[smem:$0x3FB1] =	sst s4  }
0xd: {  	[smem:$0x3FB2] =	sst s5  }
0xe: {  	[smem:$0x3FB3] =	sst s6  }
0xf: {  	[smem:$0x3FB4] =	sst s7  }
0x10: {  	[smem:$0x3FB5] =	sst s8  }
0x11: {  	[smem:$0x3FB6] =	sst s9;
	s0 =	simm.s32 @!p0 $0x0  }
0x12: {  	s1 =	sld [smem:$0x3F9C];
	s0 =	simm.s32 @p0 $0x1  }
0x13: {  	[smem:$0x3FB7] =	sst s0;
	s0 =	simm.s32 @!p1 $0x0  }
0x14: {  	s2 =	sld [smem:$0x3F9B];
	s0 =	simm.s32 @p1 $0x1  }
0x15: {  	[smem:$0x3FB8] =	sst s0;
	s0 =	simm.s32 @!p2 $0x0  }
0x16: {  	s3 =	sld [smem:$0x3FDB];
	s0 =	simm.s32 @p2 $0x1  }
0x17: {  	s4 =	simm.s32 $0x1BF5;
	[smem:$0x3FBA] =	sst s0  }
0x18: {  	s0 =	sld [smem:$0x3F9D];
	_ =	swait.ge [sflag:s4], $0x0  }
0x19: {  	s7 =	sld [smem:$0x3F9E]  }
0x1a: {  	s8 =	sadd.s32 $0xFFFFE003, lr  }
0x1b: {  	s9 =	sadd.s32 $0xFFFFFEF7, lr;
	s5 =	simm.s32 $0xFFFFFFFF;
	p2 =	slt.u32 s8, $0xFFFFF086  }
0x1c: {  	p1 =	slt.u32 s9, $0xF7A;
	s5 =	simm.s32 @!p2 $0x0  }
0x1d: {  	s5 =	simm.s32 @p1 $0x1;
	p0 =	seq.s32 s7, s2  }
0x1e: {  	s7 =	smul.u32 @!p0 $0xF7A, s2;
	p2 =	seq.s32 @!p0 s5, $0x0  }
0x1f: {  	s9 =	smul.u32 $0xF7A, s1;
	s8 =	simm.s32 @!p0 $0x1BF5;
	p2 =	por !p2, p0  }
0x20: {  	[sflag:s8] =	ssyncset.s32 @!p0 $0xFFFFF086;
	s6 =	sadd.s32 @!p0 s3, s7;
	s7 =	simm.s32 @!p0 $0x108  }
0x21: {  	s3 =	sadd.s32 s3, s9;
	s6 =	sadd.s32 @!p0 $0x88, s6;
	s7 =	simm.s32 @p2 $0x1082  }
0x22: {  	[simem:s7], [sflag:s8] =	dma.local @!p0 [hbm:s6], $0xF7A  }
0x23: {  	s9 =	sor.u32 $0xD0000000, s2;
	s6 =	simm.s32 $0x108;
	_ =	swait.ge @!p0 [sflag:s8], $0x0  }
0x24: {  	s3 =	sadd.s32 $0x88, s3;
	s6 =	simm.s32 @!p1 $0x1082;
	[sflag:s4] =	ssyncset.s32 $0xFFFFF086  }
0x25: {  	[simem:s6], [sflag:s4] =	dma.local [hbm:s3], $0xF7A  }
0x26: {  	[smem:$0x3F9E] =	sst s1;
	(tag) =	ssettag s2;
	_ =	strace s9  }
0x27: {  	s1 =	sld [smem:$0x3FAE]  }
0x28: {  	s2 =	sld [smem:$0x3FAF]  }
0x29: {  	s4 =	sld [smem:$0x3FB1]  }
0x2a: {  	p0 =	seq.s32 s5, $0x0;
	s5 =	sld [smem:$0x3FB2]  }
0x2b: {  	s6 =	sld [smem:$0x3FB3]  }
0x2c: {  	s7 =	sld [smem:$0x3FB4]  }
0x2d: {  	s3 =	simm.s32 $0x108;
	s8 =	sld [smem:$0x3FB5]  }
0x2e: {  	s3 =	simm.s32 @!p0 $0x1082;
	s9 =	sld [smem:$0x3FB6]  }
0x2f: {  	lr =	sadd.s32 s0, s3;
	s0 =	sld [smem:$0x3FAD]  }
0x30: {  	s3 =	sld [smem:$0x3FB0]  }
0x31: {  	[smem:$0x3FB9] =	sst s10  }
0x32: {  	s10 =	sld [smem:$0x3FB7];
	_ =	sdelay $0x3  }
0x33: {  	p0 =	seq.s32 s10, $0x1;
	s10 =	sld [smem:$0x3FB9];
	_ =	sdelay $0x3  }
0x34: {  	[smem:$0x3FB9] =	sst s10  }
0x35: {  	s10 =	sld [smem:$0x3FB8];
	_ =	sdelay $0x3  }
0x36: {  	p1 =	seq.s32 s10, $0x1;
	s10 =	sld [smem:$0x3FB9];
	_ =	sdelay $0x3  }
0x37: {  	[smem:$0x3FB9] =	sst s10  }
0x38: {  	s10 =	sld [smem:$0x3FBA]  }
0x39: {  	_ = 	snop;
	(pc) =	sbr.ind lr, $3  }
0x3a: {  	_ = 	snop  }
0x3b: {  	_ = 	snop  }
0x3c: {  	p2 =	seq.s32 s10, $0x1;
	s10 =	sld [smem:$0x3FB9]  }
0x3d: {  	_ =	shalt  }
0x3e: {  	_ =	shalt  }
0x3f: {  	_ =	shalt  }
0x40: {  	_ =	shalt  }
0x41: {  	_ =	shalt  }
0x42: {  	_ =	shalt  }
0x43: {  	_ =	shalt  }
0x44: {  	_ =	shalt  }
0x45: {  	_ =	shalt  }
0x46: {  	_ =	shalt  }
0x47: {  	_ =	shalt  }
0x48: {  	_ =	shalt  }
0x49: {  	_ =	shalt  }
0x4a: {  	_ =	shalt  }
0x4b: {  	_ =	shalt  }
0x4c: {  	_ =	shalt  }
0x4d: {  	_ =	shalt  }
0x4e: {  	_ =	shalt  }
0x4f: {  	_ =	shalt  }
0x50: {  	_ =	shalt  }
0x51: {  	_ =	shalt  }
0x52: {  	_ =	shalt  }
0x53: {  	_ =	shalt  }
0x54: {  	_ =	shalt  }
0x55: {  	_ =	shalt  }
0x56: {  	_ =	shalt  }
0x57: {  	_ =	shalt  }
0x58: {  	_ =	shalt  }
0x59: {  	_ =	shalt  }
0x5a: {  	_ =	shalt  }
0x5b: {  	_ =	shalt  }
0x5c: {  	_ =	shalt  }
0x5d: {  	_ =	shalt  }
0x5e: {  	_ =	shalt  }
0x5f: {  	_ =	shalt  }
0x60: {  	_ =	shalt  }
0x61: {  	_ =	shalt  }
0x62: {  	_ =	shalt  }
0x63: {  	_ =	shalt  }
0x64: {  	_ =	shalt  }
0x65: {  	_ =	shalt  }
0x66: {  	_ =	shalt  }
0x67: {  	_ =	shalt  }
0x68: {  	_ =	shalt  }
0x69: {  	_ =	shalt  }
0x6a: {  	_ =	shalt  }
0x6b: {  	_ =	shalt  }
0x6c: {  	_ =	shalt  }
0x6d: {  	_ =	shalt  }
0x6e: {  	_ =	shalt  }
0x6f: {  	_ =	shalt  }
0x70: {  	_ =	shalt  }
0x71: {  	_ =	shalt  }
0x72: {  	_ =	shalt  }
0x73: {  	_ =	shalt  }
0x74: {  	_ =	shalt  }
0x75: {  	_ =	shalt  }
0x76: {  	_ =	shalt  }
0x77: {  	_ =	shalt  }
0x78: {  	_ =	shalt  }
0x79: {  	_ =	shalt  }
0x7a: {  	_ =	shalt  }
0x7b: {  	_ =	shalt  }
0x7c: {  	_ =	shalt  }
0x7d: {  	_ =	shalt  }
0x7e: {  	_ =	shalt  }
0x7f: {  	_ =	shalt  }
0x80: {  	_ =	shalt  }
0x81: {  	_ =	shalt  }
0x82: {  	_ =	shalt  }
0x83: {  	_ =	shalt  }
0x84: {  	_ =	shalt  }
0x85: {  	_ =	shalt  }
0x86: {  	_ =	shalt  }
0x87: {  	_ =	shalt  }
.Lfunc_end0:
.L_simem_size_0:
called_computation_lowered:
.L_overlay_start_0:
0x88: {  	s0 =	sld [smem:$0x3FD9]  }
0x89: {  	s1 =	sld [smem:$0x3FFE];
	_ =	sdelay $0x3  }
0x8a: {  	s0 =	sadd.s32 s1, s0  }
0x8b: {  	[smem:$0x3FC5] =	sst s0  }
0x8c: {  	_ = 	snop  }
0x8d: {  	s0 =	sld [smem:$0x3FC9]  }
0x8e: {  	s16 =	sld [smem:$0x3FC8]  }
0x8f: {  	s2 =	sld [smem:$0x3FD0];
	(tm) =	ssettm $0x1  }
0x90: {  	s3 =	sld [smem:$0x3FFB];
	_ =	sdelay $0x3  }
0x91: {  	_ =	strace s3  }
0x92: {  	s3 =	sld [smem:$0x3FFC];
	_ =	sdelay $0x3  }
0x93: {  	_ =	strace s3  }
0x94: {  	s3 =	sld [smem:$0x3FFD];
	_ =	sdelay $0x3  }
0x95: {  	_ =	strace s3  }
0x96: {  	_ =	strace $0x8FFFFFFF  }
0x97: {  	s17 =	sld [smem:$0x3FDB];
	_ =	sdelay $0x1  }
0x98: {  	s4 =	simm.s32 $_scs_section_size  }
0x99: {  	s5 =	simm.s32 $_size__tile_overlayer_lowered;
	s6 =	simm.s32 $_tile_overlayer_lowered  }
0x9a: {  	s20 =	simm.s32 $0x1BFF;
	s19 =	sshll.u32 s6, $0x1;
	s3 =	sadd.s32 s4, s17  }
0x9b: {  	s7 =	simm.s32 $0x0;
	s18 =	sshll.u32 s5, $0x1;
	s5 =	sadd.s32 s19, s3  }
0x9c: {  	[timem:s7], [sflag:s20] =	dma.local [hbm:s5], s18  }
0x9d: {  	_ =	swait.ge [sflag:s20], s18  }
0x9e: {  	s4 =	ssub.s32 $0x0, s18;
	[sflag:s20] =	ssyncset.done $0x0  }
0x9f: {  	[sflag:s20] =	ssyncadd.s32 s4;
	_ =	sdelay $0x1  }
0xa0: {  	s21 =	simm.s32 $0x1B8B  }
0xa1: {  	_ =	swait.ge [sflag:s21], $0x1  }
0xa2: {  	[sflag:s21] =	ssyncset.done $0x0  }
0xa3: {  	s23 =	simm.s32 $0x1B8E;
	s22 =	sld [smem:$0x3FFE];
	[sflag:s21] =	ssyncadd.s32 $0xFFFFFFFF  }
0xa4: {  	s24 =	simm.s32 $execute0_lowered;
	[smem:$0x3FD2] =	sst s23  }
0xa5: {  	s5 =	sshll.u32 s24, $0x1;
	_ =	strace $0x80000046;
	[dreg:$0x1] =	wrdreg $0xFFFFFFFF  }
0xa6: {  	s25 =	simm.s32 $_size_execute0_lowered;
	s3 =	sadd.s32 s3, s5;
	[dreg:$0x0] =	wrdreg $0x0  }
0xa7: {  	s5 =	sshll.u32 s25, $0x1;
	[dreg:$0x2] =	wrdreg s3  }
0xa8: {  	[dreg:$0x3] =	wrdreg s5  }
0xa9: {  	[dreg:$0x4] =	wrdreg $0xC0  }
0xaa: {  	_ =	task [dreg:s7], $0x5FFFF  }
0xab: {  	[dreg:$0x1] =	wrdreg $0xFFFFFFFF  }
0xac: {  	[dreg:$0x0] =	wrdreg $0x60  }
0xad: {  	[dreg:$0x2] =	wrdreg s0  }
0xae: {  	[dreg:$0x3] =	wrdreg s16  }
0xaf: {  	[dreg:$0x4] =	wrdreg s22  }
0xb0: {  	[dreg:$0x5] =	wrdreg s2  }
0xb1: {  	[dreg:$0x6] =	wrdreg $0x9  }
0xb2: {  	_ =	task.clear_ibuf [dreg:s7], $0x7FFFF;
	_ =	strace $0x90000046  }
0xb3: {  	s26 =	simm.s32 $0x9;
	_ =	strace $0x80000048  }
0xb4: {  	_ =	swait.ge [sflag:s26], $0x1  }
0xb5: {  	[sflag:s26] =	ssyncadd.s32 $0xFFFFFFFF  }
0xb6: {  	_ =	strace $0x90000048  }
0xb7: {  	_ =	sfence  }
0xb8: {  	s28 =	sld [smem:$0x0];
	_ =	sdelay $0x1  }
0xb9: {  	s29 =	srdreg.scid  }
0xba: {  	s30 =	sshll.u32 s29, $0xD;
	s31 =	sshrl.u32 s29, $0x2  }
0xbb: {  	s1 =	sand.u32 $0x1, s29;
	s2 =	sand.u32 $0x4000, s30;
	s0 =	sadd.s32 s31, s28  }
0xbc: {  	s1 =	sor.u32 s2, s1;
	s0 =	sshll.u32 s0, $0x11  }
0xbd: {  	s0 =	sor.u32 s0, s1  }
0xbe: {  	s0 =	sadd.s32 $0x8F2B, s0  }
0xbf: {  	[sflag:s0] =	ssyncadd.remote.s32 $0x1  }
0xc0: {  	_ =	sfence.sel $0xFFFF  }
0xc1: {  	[dreg:$0x0] =	wrdreg $0xFFFFFFFF;
	(pc) =	sbr.abs _section_cstart, $3  }
0xc2: {  	[dreg:$0x1] =	wrdreg $0xFFFFFFFF  }
0xc3: {  	_ =	task.clear_ibuf [dreg:s7], $0x2FFFF;
	_ =	strace $0x9FFFFFFF  }
0xc4: {  	(tm) =	ssettm $0x7FFFFFFF  }
0xc5: {  	_ =	shalt  }
tec
execute0_lowered:
.L_overlay_start_1:
0x0: {  	(tag) =	ssettag $0x1  }
0x1: {  	s6 =	stileid.u32  }
0x2: {  	s2 =	rddreg [dreg:$0x0];
	p0 =	sne.s32 s6, $0x0  }
.Ltmp0:
0x3: {  	s5 =	rddreg [dreg:$0x1];
	(pc) =	sbr.rel @p0 .LBB2_12-.Ltmp0, $4  }
0x4: {  	s3 =	rddreg [dreg:$0x2]  }
0x5: {  	s1 =	rddreg [dreg:$0x3];
	s4 =	simm.s32 $0x0  }
0x6: {  	[smem:$0x7FF] =	sst s4  }
0x7: {  	s0 =	rddreg [dreg:$0x4];
	_ =	strace $0x80000047  }
0x8: {  	s3 =	sadd.s32 $0x400, s3;
	s6 =	simm.s32 $0x1000  }
0x9: {  	[tilespmem:s6], [sflag:$0x1] =	stream.linear.gather [hbm4b:s3+s4], $0x20, $0x38;
	[tilespmem:$0x2180] =	vst v63  }
0xa: {  	_ = 	snop  }
0xb: {  	[tilespmem:s4], [sflag:$0x2] =	stream.linear.gather [hbm4b:s5+s4], $0x1000, $0x38;
	[tilespmem:$0x2180] =	vst v63  }
0xc: {  	s5 =	simm.s32 $0x1  }
0xd: {  	_ =	swait.ge [sflag:s5], $0x20  }
0xe: {  	[sflag:s5] =	ssyncset.done $0x0  }
0xf: {  	[sflag:s5] =	ssyncadd.s32 $0xFFFFFFE0  }
0x10: {  	v0 =	vld [tilespmem:s6+$0x0];
	_ =	sdelay $0x4  }
0x11: {  	(v2sf) =	vpush v0, $0x0;
	_ =	sdelay $0xe  }
0x12: {  	s28 =	spop (v2sf)  }
0x13: {  	s7 =	sand.u32 $0x7F, s28  }
0x14: {  	s8 =	sshra.s32 s28, $0x1F;
	p1 =	slt.s32 s28, $0x1;
	p2 =	sne.s32 s7, $0x0  }
0x15: {  	s29 =	sshrl.u32 s8, $0x19;
	p1 =	por !p1, !p2  }
0x16: {  	s7 =	simm.s32 $0x1;
	s6 =	sadd.s32 s29, s28;
	p1 =	por !p1, !p1  }
0x17: {  	s30 =	simm.s32 $0x0;
	s6 =	sshrl.u32 s6, $0x7;
	s7 =	simm.s32 @!p1 $0x0  }
0x18: {  	s8 =	smul.u32 $0xC3800, s30;
	s6 =	ssub.s32 s6, s7  }
0x19: {  	s6 =	sshll.u32 s6, $0xA  }
0x1a: {  	s31 =	sand.u32 $0x380, s4;
	s6 =	sadd.s32 s8, s6  }
0x1b: {  	s6 =	sor.u32 s31, s6  }
0x1c: {  	s7 =	sshrl.u32 s6, $0x3  }
0x1d: {  	s9 =	simm.s32 $0x1001;
	s6 =	simm.s32 $0x1100;
	s7 =	sadd.s32 s2, s7  }
0x1e: {  	[tilespmem:s6], [sflag:$0x3] =	stream.linear.gather [hbm4b:s7+s4], $0x80, $0x38;
	[tilespmem:$0x2180] =	vst v63  }
0x1f: {  	s10 =	simm.s32 $0x2;
	s8 =	simm.s32 $0x1;
	s7 =	simm.s32 $0x0;
	v0 =	vld [tilespmem:s9+$0x0]  }
.LBB2_2:
0x20: {  	p1 =	sne.s32 s10, $0x19;
	_ =	sdelay $0x3  }
0x21: {  	(v2sf) =	vpush v0, $0x0;
	_ =	sdelay $0xe  }
0x22: {  	s11 =	spop (v2sf)  }
0x23: {  	s12 =	sand.u32 $0x7F, s11  }
0x24: {  	s13 =	sshra.s32 s11, $0x1F;
	p2 =	slt.s32 s11, $0x1;
	p3 =	sne.s32 s12, $0x0  }
0x25: {  	s12 =	sshrl.u32 s13, $0x19;
	p2 =	por !p2, !p3  }
0x26: {  	s11 =	sadd.s32 s12, s11;
	s12 =	simm.s32 $0x1;
	p2 =	por !p2, !p2  }
0x27: {  	s8 =	sshrl.u32 s8, $0x3;
	s11 =	sshrl.u32 s11, $0x7;
	s12 =	simm.s32 @!p2 $0x0  }
0x28: {  	s13 =	smul.u32 $0xC3800, s8;
	s8 =	smov.u32 s10;
	s11 =	ssub.s32 s11, s12  }
0x29: {  	s7 =	sadd.s32 $0x80, s7;
	s11 =	sshll.u32 s11, $0xA  }
0x2a: {  	s12 =	sand.u32 $0x380, s7;
	s11 =	sadd.s32 s13, s11  }
.Ltmp1:
0x2b: {  	s11 =	sor.u32 s12, s11;
	(pc) =	sbr.rel @p1 .LBB2_2-.Ltmp1, $4  }
0x2c: {  	s11 =	sshrl.u32 s11, $0x3  }
0x2d: {  	s9 =	sadd.s32 $0x1, s9;
	s6 =	sadd.s32 $0x80, s6;
	s11 =	sadd.s32 s2, s11  }
0x2e: {  	[tilespmem:s6], [sflag:$0x3] =	stream.linear.gather [hbm4b:s11+s4], $0x80, $0x38;
	[tilespmem:$0x2180] =	vst v63  }
0x2f: {  	s10 =	sadd.s32 $0x1, s10;
	v0 =	vld [tilespmem:s9+$0x0]  }
0x30: {  	_ =	sdelay $0x3  }
0x31: {  	(v2sf) =	vpush v0, $0x0;
	_ =	sdelay $0xe  }
0x32: {  	s9 =	spop (v2sf)  }
0x33: {  	s10 =	sand.u32 $0x7F, s9  }
0x34: {  	s11 =	sshra.s32 s9, $0x1F;
	p1 =	slt.s32 s9, $0x1;
	p2 =	sne.s32 s10, $0x0  }
0x35: {  	s29 =	sshrl.u32 s11, $0x19;
	p1 =	por !p1, !p2  }
0x36: {  	s9 =	sadd.s32 s29, s9;
	p1 =	por !p1, !p1  }
0x37: {  	s8 =	sshrl.u32 s8, $0x3;
	s9 =	sshrl.u32 s9, $0x7;
	s5 =	simm.s32 @!p1 $0x0  }
0x38: {  	s8 =	smul.u32 $0xC3800, s8;
	s5 =	ssub.s32 s9, s5  }
0x39: {  	s7 =	sadd.s32 $0x80, s7;
	s5 =	sshll.u32 s5, $0xA  }
0x3a: {  	s7 =	sand.u32 $0x380, s7;
	s5 =	sadd.s32 s8, s5  }
0x3b: {  	s5 =	sor.u32 s7, s5  }
0x3c: {  	s5 =	sshrl.u32 s5, $0x3  }
0x3d: {  	s6 =	sadd.s32 $0x80, s6;
	s30 =	simm.s32 $0x2;
	s5 =	sadd.s32 s2, s5  }
0x3e: {  	[tilespmem:s6], [sflag:$0x3] =	stream.linear.gather [hbm4b:s5+s4], $0x80, $0x38;
	[tilespmem:$0x2180] =	vst v63  }
0x3f: {  	_ =	swait.ge [sflag:s30], $0x1000  }
0x40: {  	[sflag:s30] =	ssyncset.done $0x0  }
0x41: {  	s31 =	simm.s32 $0x0;
	[sflag:s30] =	ssyncadd.s32 $0xFFFFF000  }
0x42: {  	v1 =	vld [tilespmem:s31+$0x30]  }
0x43: {  	v2 =	vld [tilespmem:s31+$0x0]  }
0x44: {  	v5 =	vimm.f32 $-Inf;
	v3 =	vld [tilespmem:s31+$0x10]  }
0x45: {  	v6 =	vimm.f32 $-Inf;
	v7 =	vimm.f32 $-Inf;
	v0 =	vimm.f32 $-Inf;
	s4 =	simm.s32 $0x100;
	v4 =	vld [tilespmem:s31+$0x20]  }
.LBB2_4:
0x46: {  	p1 =	sne.s32 s4, $0x3F00  }
.Ltmp2:
0x47: {  	s5 =	sshra.s32 s4, $0x2;
	s4 =	sadd.s32 $0x100, s4;
	v0 =	vmax.f32 v0, v1;
	(pc) =	sbr.rel @p1 .LBB2_4-.Ltmp2, $4  }
0x48: {  	v1 =	vld [tilespmem:s5+$0x30];
	v5 =	vmax.f32 v5, v2  }
0x49: {  	v2 =	vld [tilespmem:s5+$0x0];
	v6 =	vmax.f32 v6, v3  }
0x4a: {  	v3 =	vld [tilespmem:s5+$0x10];
	v7 =	vmax.f32 v7, v4  }
0x4b: {  	v4 =	vld [tilespmem:s5+$0x20]  }
0x4c: {  	_ =	sdelay $0x2  }
0x4d: {  	v2 =	vmax.f32 v5, v2;
	v3 =	vmax.f32 v6, v3  }
0x4e: {  	v4 =	vmax.f32 v7, v4;
	v2 =	vmax.f32 v2, v3  }
0x4f: {  	v0 =	vmax.f32 v0, v1;
	v1 =	vmax.f32 v2, v4  }
0x50: {  	v0 =	vmax.f32 v1, v0  }
0x51: {  	(xrf0) =	vmax.scan.msk.f32 $0xffff, v0;
	_ =	sdelay $0x2  }
0x52: {  	v1 =	vld [tilespmem:$0x0];
	_ =	sdelay $0x2  }
0x53: {  	v0, _, _ =	vpop (xrf0)  }
0x54: {  	(v2sf) =	vpush v0, $0xF  }
0x55: {  	(v2sf) =	vpush v1, $0x0;
	_ =	sdelay $0xd  }
0x56: {  	s4 =	spop (v2sf)  }
0x57: {  	s5 =	spop (v2sf)  }
0x58: {  	p1 =	slt.f32 s5, s4  }
.Ltmp3:
0x59: {  	_ = 	snop;
	(pc) =	sbr.rel @!p1 .LBB2_11-.Ltmp3, $4  }
0x5a: {  	s6 =	simm.s32 $0x3  }
0x5b: {  	_ =	swait.ge [sflag:s6], $0xD00  }
0x5c: {  	[sflag:s6] =	ssyncset.done $0x0  }
0x5d: {  	[sflag:s6] =	ssyncadd.s32 $0xFFFFF300  }
0x5e: {  	s5 =	simm.s32 $0x0  }
0x5f: {  	v3 =	vld [tilespmem:s5+$0x0];
	_ =	sdelay $0x2  }
0x60: {  	v1 =	vbroadcast v0, $0xF  }
0x61: {  	v2 =	vlaneseq.u32  }
0x62: {  	v0 =	vimm.s32 $0x7FFFFFFF;
	s4 =	simm.s32 $0x10;
	vm0 =	veq.f32 v3, v1;
	v3 =	vor.u32 s5, v2;
	s5 =	simm.s32 $0x10  }
.LBB2_7:
0x63: {  	v4 =	vld [tilespmem:s5+$0x0];
	p1 =	sne.s32 s4, $0xFF0;
	v3 =	vnsel vm0, $0x7FFFFFFF, v3;
	s6 =	smov.u32 s4;
	s4 =	sadd.s32 $0x10, s4  }
.Ltmp4:
0x64: {  	vm0 =	vlt.s32 v0, v3;
	(pc) =	sbr.rel @p1 .LBB2_7-.Ltmp4, $2  }
0x65: {  	v0 =	vsel vm0, v0, v3;
	_ =	sdelay $0x2  }
0x66: {  	s5 =	sadd.s32 $0x10, s5;
	v3 =	vor.u32 s6, v2;
	vm0 =	veq.f32 v4, v1  }
0x67: {  	v1 =	vnsel vm0, $0x7FFFFFFF, v3  }
0x68: {  	vm0 =	vlt.s32 v0, v1  }
0x69: {  	v0 =	vsel vm0, v0, v1  }
0x6a: {  	v0 =	vxor.u32 $0x80000000, v0  }
0x6b: {  	(xrf0) =	vmin.scan.msk.u32 $0xffff, v0;
	_ =	sdelay $0x5  }
0x6c: {  	v0, _, _ =	vpop (xrf0)  }
0x6d: {  	(v2sf) =	vpush v0, $0xF;
	_ =	sdelay $0xe  }
0x6e: {  	s4 =	spop (v2sf)  }
0x6f: {  	s4 =	smul.u32 $0x1A, s4;
	_ =	sdelay $0x1  }
0x70: {  	v0 =	vlaneseq.u32;
	s5 =	sadd.s32 $0x10, s4  }
0x71: {  	vm15 =	vmmov $0x3ff;
	v1 =	vadd.s32 s4, v0;
	v0 =	vadd.s32 s5, v0  }
0x72: {  	[tilespmem:$0x1080] =	vst v1;
	v0 =	vnsel vm15, $0x0, v0  }
0x73: {  	s23 =	simm.s32 $0x20;
	s24 =	simm.s32 $0x1080;
	s6 =	simm.s32 $0x1000;
	[tilespmem:$0x1090] =	vst v0  }
0x74: {  	[tilespmem:s6], [sflag:$0x1] =	stream.indirect.gather [hbm4b:s3+s23], $0x1, s24, s23, $0xb8;
	[tilespmem:$0x2180] =	vst v63  }
0x75: {  	s3 =	simm.s32 $0x1  }
0x76: {  	_ =	swait.ge [sflag:s3], $0x20  }
0x77: {  	[sflag:s3] =	ssyncset.done $0x0  }
0x78: {  	[sflag:s3] =	ssyncadd.s32 $0xFFFFFFE0  }
0x79: {  	v0 =	vld [tilespmem:s6+$0x0];
	_ =	sdelay $0x4  }
0x7a: {  	(v2sf) =	vpush v0, $0x0;
	_ =	sdelay $0xe  }
0x7b: {  	s25 =	spop (v2sf)  }
0x7c: {  	s26 =	sand.u32 $0x7F, s25  }
0x7d: {  	s28 =	sshra.s32 s25, $0x1F;
	p1 =	slt.s32 s25, $0x1;
	p2 =	sne.s32 s26, $0x0  }
0x7e: {  	s29 =	sshrl.u32 s28, $0x19;
	p1 =	por !p1, !p2  }
0x7f: {  	s5 =	simm.s32 $0x1;
	s4 =	sadd.s32 s29, s25;
	p1 =	por !p1, !p1  }
0x80: {  	s30 =	simm.s32 $0x0;
	s4 =	sshrl.u32 s4, $0x7;
	s5 =	simm.s32 @!p1 $0x0  }
0x81: {  	s6 =	smul.u32 $0xC3800, s30;
	s5 =	ssub.s32 s4, s5  }
0x82: {  	s4 =	simm.s32 $0x0;
	s5 =	sshll.u32 s5, $0xA  }
0x83: {  	s31 =	sand.u32 $0x380, s4;
	s5 =	sadd.s32 s6, s5  }
0x84: {  	s5 =	sor.u32 s31, s5  }
0x85: {  	s6 =	sshrl.u32 s5, $0x3  }
0x86: {  	s8 =	simm.s32 $0x1001;
	s5 =	simm.s32 $0x1100;
	s6 =	sadd.s32 s2, s6  }
0x87: {  	[tilespmem:s5], [sflag:$0x3] =	stream.linear.gather [hbm4b:s6+s4], $0x80, $0x38;
	[tilespmem:$0x2180] =	vst v63  }
0x88: {  	s7 =	simm.s32 $0x1;
	s9 =	simm.s32 $0x2;
	s6 =	simm.s32 $0x0;
	v0 =	vld [tilespmem:s8+$0x0]  }
.LBB2_9:
0x89: {  	p1 =	sne.s32 s9, $0x19;
	_ =	sdelay $0x3  }
0x8a: {  	(v2sf) =	vpush v0, $0x0;
	_ =	sdelay $0xe  }
0x8b: {  	s10 =	spop (v2sf)  }
0x8c: {  	s11 =	sand.u32 $0x7F, s10  }
0x8d: {  	s12 =	sshra.s32 s10, $0x1F;
	p2 =	slt.s32 s10, $0x1;
	p3 =	sne.s32 s11, $0x0  }
0x8e: {  	s11 =	sshrl.u32 s12, $0x19;
	p2 =	por !p2, !p3  }
0x8f: {  	s10 =	sadd.s32 s11, s10;
	s11 =	simm.s32 $0x1;
	p2 =	por !p2, !p2  }
0x90: {  	s7 =	sshrl.u32 s7, $0x3;
	s10 =	sshrl.u32 s10, $0x7;
	s11 =	simm.s32 @!p2 $0x0  }
0x91: {  	s12 =	smul.u32 $0xC3800, s7;
	s7 =	smov.u32 s9;
	s10 =	ssub.s32 s10, s11  }
0x92: {  	s6 =	sadd.s32 $0x80, s6;
	s10 =	sshll.u32 s10, $0xA  }
0x93: {  	s11 =	sand.u32 $0x380, s6;
	s10 =	sadd.s32 s12, s10  }
.Ltmp5:
0x94: {  	s10 =	sor.u32 s11, s10;
	(pc) =	sbr.rel @p1 .LBB2_9-.Ltmp5, $4  }
0x95: {  	s10 =	sshrl.u32 s10, $0x3  }
0x96: {  	s8 =	sadd.s32 $0x1, s8;
	s5 =	sadd.s32 $0x80, s5;
	s10 =	sadd.s32 s2, s10  }
0x97: {  	[tilespmem:s5], [sflag:$0x3] =	stream.linear.gather [hbm4b:s10+s4], $0x80, $0x38;
	[tilespmem:$0x2180] =	vst v63  }
0x98: {  	s9 =	sadd.s32 $0x1, s9;
	v0 =	vld [tilespmem:s8+$0x0]  }
0x99: {  	_ =	sdelay $0x3  }
0x9a: {  	(v2sf) =	vpush v0, $0x0;
	_ =	sdelay $0xe  }
0x9b: {  	s8 =	spop (v2sf)  }
0x9c: {  	s9 =	sand.u32 $0x7F, s8  }
0x9d: {  	s10 =	sshra.s32 s8, $0x1F;
	p1 =	slt.s32 s8, $0x1;
	p2 =	sne.s32 s9, $0x0  }
0x9e: {  	s29 =	sshrl.u32 s10, $0x19;
	p1 =	por !p1, !p2  }
0x9f: {  	s8 =	sadd.s32 s29, s8;
	p1 =	por !p1, !p1  }
0xa0: {  	s7 =	sshrl.u32 s7, $0x3;
	s8 =	sshrl.u32 s8, $0x7;
	s3 =	simm.s32 @!p1 $0x0  }
0xa1: {  	s7 =	smul.u32 $0xC3800, s7;
	s3 =	ssub.s32 s8, s3  }
0xa2: {  	s6 =	sadd.s32 $0x80, s6;
	s3 =	sshll.u32 s3, $0xA  }
0xa3: {  	s6 =	sand.u32 $0x380, s6;
	s3 =	sadd.s32 s7, s3  }
0xa4: {  	s3 =	sor.u32 s6, s3  }
0xa5: {  	s3 =	sshrl.u32 s3, $0x3  }
0xa6: {  	s30 =	sadd.s32 $0x80, s5;
	s31 =	simm.s32 $0x3;
	s2 =	sadd.s32 s2, s3  }
0xa7: {  	[tilespmem:s30], [sflag:$0x3] =	stream.linear.gather [hbm4b:s2+s4], $0x80, $0x38;
	[tilespmem:$0x2180] =	vst v63  }
0xa8: {  	_ =	swait.ge [sflag:s31], $0xD00  }
0xa9: {  	[sflag:s31] =	ssyncset.done $0x0  }
0xaa: {  	[sflag:s31] =	ssyncadd.s32 $0xFFFFF300  }
.LBB2_11:
0xab: {  	v0 =	vimm.s32 $0x0;
	vm0 =	vcmask $0x300  }
0xac: {  	vm7 =	vcmask $0x704;
	v0 =	vsel vm0, $0x800, v0  }
0xad: {  	vm8 =	vcmask $0xB08;
	v0 =	vsel vm7, $0x880, v0  }
0xae: {  	vm9 =	vcmask $0xF0C;
	v0 =	vsel vm8, $0x900, v0  }
0xaf: {  	v1 =	vld [tilespmem:$0x1010];
	vm10 =	vcmask $0x1310;
	v0 =	vsel vm9, $0x980, v0  }
0xb0: {  	vm11 =	vcmask $0x1714;
	v0 =	vsel vm10, $0xA00, v0  }
0xb1: {  	v2 =	vld [tilespmem:$0x1000];
	vm12 =	vcmask $0x1B18;
	v0 =	vsel vm11, $0xA80, v0  }
0xb2: {  	v3 =	vlaneseq.u32;
	vm13 =	vcmask $0x1F1C;
	v0 =	vsel vm12, $0xB00, v0  }
0xb3: {  	vm14 =	vcmask $0x2320;
	vm1 =	vmmov $0x3ff;
	v0 =	vsel vm13, $0xB80, v0  }
0xb4: {  	vm15 =	vcmask $0x2724;
	v1 =	vand.u32 $0x7F, v1;
	v0 =	vsel vm14, $0xC00, v0  }
0xb5: {  	v3 =	vmul.u32 $0x80, v3;
	v1 =	vnsel vm1, $0x0, v1;
	v0 =	vsel vm15, $0xC80, v0  }
0xb6: {  	v63 =	vand.u32 $0x7F, v2;
	v0 =	vor.u32 v0, v1  }
0xb7: {  	v1 =	vor.u32 v3, v63;
	_ =	sdelay $0x2  }
0xb8: {  	s2 =	simm.s32 $0x1100  }
0xb9: {  	v0 =	vld.idx.msk [tilespmem:v0+s2+$0x0], $0xffff  }
0xba: {  	v1 =	vld.idx.msk [tilespmem:v1+s2+$0x0], $0xffff;
	_ =	sdelay $0x3  }
0xbb: {  	v0 =	vnsel vm1, $0x0, v0  }
0xbc: {  	v0 =	vadd.f32 v0, v1;
	_ =	sdelay $0x1  }
0xbd: {  	(xrf2) =	vadd.scan.msk.f32 $0xffff, v0;
	_ =	sdelay $0x9  }
0xbe: {  	v0, _, _ =	vpop (xrf2)  }
0xbf: {  	v0 =	vbroadcast v0, $0xF;
	_ =	sdelay $0x1  }
0xc0: {  	s30 =	simm.s32 $0x0;
	s3 =	simm.s32 $0x2100;
	s31 =	simm.s32 $0x4;
	[tilespmem:$0x2100] =	vst v0  }
0xc1: {  	[hbm4b:s1+s30] =	stream.linear.scatter [tilespmem:s3], [sflag:$0x4], $0x1, $0x38;
	[tilespmem:$0x2180] =	vst v63  }
0xc2: {  	_ =	swait.ge [sflag:s31], $0x1  }
0xc3: {  	[sflag:s31] =	ssyncset.done $0x0  }
0xc4: {  	[sflag:s31] =	ssyncadd.s32 $0xFFFFFFFF  }
.LBB2_12:
0xc5: {  	_ =	sfence.sel $0x180000  }
0xc6: {  	[bflag:$0x0] =	sbarrier.arrive $0xFFFF  }
0xc7: {  	_ =	strace $0x90000047  }
0xc8: {  	s0 =	sadd.s32 @!p0 $0x100000, s0;
	[bflag:$0x2] =	sbarrier.arrive $0xFFFF  }
0xc9: {  	[sflag:s0] =	ssyncadd.tile.s32 @!p0 $0x1;
	_ =	shalt  }
.Lfunc_end2:
_tile_overlayer_lowered:
.L_overlay_start_2:
0xca: {  	(tag) =	ssettag $0x2  }
0xcb: {  	s0 =	rddreg [dreg:$0x0];
	s2 =	stileid.u32  }
0xcc: {  	s1 =	rddreg [dreg:$0x1];
	p0 =	sne.s32 s2, $0x0  }
0xcd: {  	s3 =	rddreg [dreg:$0x2];
	[bflag:$0x3] =	sbarrier.arrive $0xFFFF;
	s2 =	simm.s32 @!p0 $0x1C04  }
0xce: {  	[timem:s3], [sflag:s2] =	dma.local @!p0 [hbm:s0], s1  }
0xcf: {  	s0 =	simm.s32 @!p0 $0x4  }
0xd0: {  	_ =	swait.ge @!p0 [sflag:s0], s1  }
0xd1: {  	s1 =	ssub.s32 @!p0 $0x0, s1;
	[sflag:s0] =	ssyncset.done @!p0 $0x0  }
0xd2: {  	[sflag:s0] =	ssyncadd.s32 @!p0 s1  }
0xd3: {  	[bflag:$0x3] =	sbarrier.arrive $0xFFFF  }
0xd4: {  	_ =	shalt  }

</sc_bundles>
